<compile_context>
chip_gen: v7x
topology: tpu7x:2x2x1
jax: 0.10.2.dev20260603
libtpu: 0.0.44.dev20260713+nightly
codegen_flags: <defaults>
</compile_context>

<pallas_src>
import functools

import jax
import jax.numpy as jnp
from jax import lax
from jax.experimental import pallas as pl
from jax.experimental.pallas import tpu as pltpu
from jax.experimental.pallas import tpu_sc as plsc

_B, _S, _H = 4, 8192, 768
_E, _TOPK = 8, 2
_N = _B * _S

_BLOCK_T = 4096
_GRID = _N // _BLOCK_T

_NTILES = 32
_TPT = _N // _NTILES
_L = 16


def _gate_kernel(x_ref, w_ref, out_ref):
    out_ref[...] = jax.lax.dot_general(
        w_ref[...], x_ref[...], (((1,), (1,)), ((), ())),
        preferred_element_type=jnp.float32)


def _sc_router(lgt_hbm, probs_hbm, wts_hbm, idx_hbm, ewp_hbm, ecp_hbm,
               lg_v, pb_v, wb_v, ib_v, ew_v, ec_v):
    wid = lax.axis_index("s") * 2 + lax.axis_index("c")
    base = wid * _TPT
    pltpu.sync_copy(lgt_hbm.at[:, pl.ds(base, _TPT)], lg_v)

    zero = jnp.zeros((_L,), jnp.float32)
    one = jnp.ones((_L,), jnp.float32)
    ew_v[...] = zero
    ec_v[...] = zero

    def chunk(c, carry):
        off = c * _L
        ls = [lg_v[e, pl.ds(off, _L)] for e in range(_E)]
        m = ls[0]
        for e in range(1, _E):
            m = jnp.maximum(m, ls[e])
        exs = [jnp.exp(l - m) for l in ls]
        s = exs[0]
        for e in range(1, _E):
            s = s + exs[e]
        inv = 1.0 / s
        ps = [ex * inv for ex in exs]

        best = ps[0]
        bidx = jnp.zeros((_L,), jnp.int32)
        for e in range(1, _E):
            upd = ps[e] > best
            best = jnp.where(upd, ps[e], best)
            bidx = jnp.where(upd, e, bidx)
        second = jnp.full((_L,), -1.0, jnp.float32)
        sidx = jnp.zeros((_L,), jnp.int32)
        for e in range(_E):
            upd = (ps[e] > second) & (bidx != e)
            second = jnp.where(upd, ps[e], second)
            sidx = jnp.where(upd, e, sidx)

        inv2 = 1.0 / (best + second + 1e-8)
        w1 = best * inv2
        w2 = second * inv2

        for e in range(_E):
            pb_v[e, pl.ds(off, _L)] = ps[e]
        wb_v[0, pl.ds(off, _L)] = w1
        wb_v[1, pl.ds(off, _L)] = w2
        ib_v[0, pl.ds(off, _L)] = bidx
        ib_v[1, pl.ds(off, _L)] = sidx

        plsc.addupdate_scatter(ew_v, [bidx], w1)
        plsc.addupdate_scatter(ew_v, [sidx], w2)
        plsc.addupdate_scatter(ec_v, [bidx], one)
        plsc.addupdate_scatter(ec_v, [sidx], one)
        return carry

    lax.fori_loop(0, _TPT // _L, chunk, 0)

    pltpu.sync_copy(pb_v, probs_hbm.at[:, pl.ds(base, _TPT)])
    pltpu.sync_copy(wb_v, wts_hbm.at[:, pl.ds(base, _TPT)])
    pltpu.sync_copy(ib_v, idx_hbm.at[:, pl.ds(base, _TPT)])
    pltpu.sync_copy(ew_v, ewp_hbm.at[wid])
    pltpu.sync_copy(ec_v, ecp_hbm.at[wid])


_scmesh = plsc.VectorSubcoreMesh(core_axis_name="c", subcore_axis_name="s")

_sc_router_call = functools.partial(
    pl.kernel,
    mesh=_scmesh,
    out_type=[
        jax.ShapeDtypeStruct((_E, _N), jnp.float32),
        jax.ShapeDtypeStruct((_TOPK, _N), jnp.float32),
        jax.ShapeDtypeStruct((_TOPK, _N), jnp.int32),
        jax.ShapeDtypeStruct((_NTILES, _L), jnp.float32),
        jax.ShapeDtypeStruct((_NTILES, _L), jnp.float32),
    ],
    scratch_types=[
        pltpu.VMEM((_E, _TPT), jnp.float32),
        pltpu.VMEM((_E, _TPT), jnp.float32),
        pltpu.VMEM((_TOPK, _TPT), jnp.float32),
        pltpu.VMEM((_TOPK, _TPT), jnp.int32),
        pltpu.VMEM((_L,), jnp.float32),
        pltpu.VMEM((_L,), jnp.float32),
    ],
    compiler_params=pltpu.CompilerParams(needs_layout_passes=False),
)(_sc_router)


def kernel(hidden_states, W):
    x = hidden_states.reshape(_N, _H)
    lgt = pl.pallas_call(
        _gate_kernel,
        grid=(_GRID,),
        in_specs=[
            pl.BlockSpec((_BLOCK_T, _H), lambda i: (i, 0)),
            pl.BlockSpec((_E, _H), lambda i: (0, 0)),
        ],
        out_specs=pl.BlockSpec((_E, _BLOCK_T), lambda i: (0, i)),
        out_shape=jax.ShapeDtypeStruct((_E, _N), jnp.float32),
        compiler_params=pltpu.CompilerParams(
            dimension_semantics=("arbitrary",)),
    )(x, W)

    probs_f, wts_f, idx_f, ewp, ecp = _sc_router_call(lgt)

    ew = jnp.sum(ewp, axis=0)
    ec = jnp.sum(ecp, axis=0)
    expected = _N * _TOPK / _E
    loss = jnp.sum(ew * ec) / (expected * expected)

    return (wts_f.T.reshape(_B, _S, _TOPK), idx_f.T.reshape(_B, _S, _TOPK),
            probs_f.T.reshape(_B, _S, _E), loss)

# --- scband reference (transcript-rebuilt; emitter-appended) ---
"""Pipeline reference for scband-expert-gate-85272280695337 (READ-ONLY COPY).

The authoritative reference and input builder live on the scoring server;
editing this copy changes nothing except your own understanding.
"""

import jax, jax.numpy as jnp
import numpy as np

B, S, H = 4, 8192, 768
E, TOPK = 8, 2

def setup_inputs(seed: int = 0) -> dict:
    key = jax.random.key(seed)
    k1, k2 = jax.random.split(key)
    hidden_states = jax.random.normal(k1, (B, S, H), dtype=jnp.float32)
    # gate weight, nn.Linear(hidden_size, num_experts, bias=False), init std=0.02
    W = jax.random.normal(k2, (E, H), dtype=jnp.float32) * 0.02
    return {"hidden_states": hidden_states, "W": W}

def reference(hidden_states, W):
    # gate_logits = self.gate(hidden_states); eval mode so no noise is added
    gate_logits = jnp.einsum('bsh,eh->bse', hidden_states, W)
    routing_probs = jax.nn.softmax(gate_logits, axis=-1)
    top_k_weights, top_k_indices = jax.lax.top_k(routing_probs, min(TOPK, E))
    top_k_weights = top_k_weights / (jnp.sum(top_k_weights, axis=-1, keepdims=True) + 1e-08)
    # load balance loss: scatter-add weights and counts per expert
    flat_idx = top_k_indices.reshape(-1)
    flat_w = top_k_weights.reshape(-1)
    expert_weights = jnp.zeros((E,), dtype=top_k_weights.dtype).at[flat_idx].add(flat_w)
    expert_counts = jnp.zeros((E,), dtype=top_k_weights.dtype).at[flat_idx].add(jnp.ones_like(flat_w))
    total_tokens = B * S * TOPK
    expected_load = total_tokens / E
    load_balance_loss = jnp.sum(expert_weights * expert_counts) / expected_load ** 2
    return (top_k_weights, top_k_indices, routing_probs, load_balance_loss)

if __name__ == "__main__":
    import jax
    _d = setup_inputs()
    print(jax.jit(kernel)(*tuple(_d.values())))

</pallas_src>

<mosaic_0001>
#map = affine_map<(d0, d1) -> (0, 0)>
module attributes {stable_mosaic.version = 14 : i64} {
  func.func @_sc_router(%arg0: i32, %arg1: i32, %arg2: memref<8x32768xf32, #tpu.memory_space<hbm>>, %arg3: memref<8x32768xf32, #tpu.memory_space<hbm>>, %arg4: memref<2x32768xf32, #tpu.memory_space<hbm>>, %arg5: memref<2x32768xi32, #tpu.memory_space<hbm>>, %arg6: memref<32x16xf32, #tpu.memory_space<hbm>>, %arg7: memref<32x16xf32, #tpu.memory_space<hbm>>, %arg8: memref<8x1024xf32, #tpu.memory_space<vmem>>, %arg9: memref<8x1024xf32, #tpu.memory_space<vmem>>, %arg10: memref<2x1024xf32, #tpu.memory_space<vmem>>, %arg11: memref<2x1024xi32, #tpu.memory_space<vmem>>, %arg12: memref<16xf32, #tpu.memory_space<vmem>>, %arg13: memref<16xf32, #tpu.memory_space<vmem>>) attributes {dimension_semantics = [#tpu.dimension_semantics<core_parallel>, #tpu.dimension_semantics<subcore_parallel>], iteration_bounds = array<i64: 2, 16>, scalar_prefetch = 0 : i64, scratch_operands = 6 : i64, tpu.core_type = #tpu.core_type<sc_vector_subcore>, window_params = [{transform_indices = #map}, {transform_indices = #map}, {transform_indices = #map}, {transform_indices = #map}, {transform_indices = #map}, {transform_indices = #map}]} {
    %mul3A = arith.constant 2 : i32
    %mul3A_0 = arith.muli %arg1, %mul3A : i32
    %add3A = arith.addi %mul3A_0, %arg0 : i32
    %mul3A_1 = arith.constant 1024 : i32
    %mul3A_2 = arith.muli %add3A, %mul3A_1 : i32
    "tpu.region"() ({
      %run_scoped3A = tpu.sem_alloc : memref<!tpu.dma_semaphore, #tpu.memory_space<semaphore_mem>>
      %dma_start3A = arith.constant 0 : i32
      %dma_start3A_14 = tpu.memref_slice %arg2[%dma_start3A, %mul3A_2] : memref<8x32768xf32, #tpu.memory_space<hbm>> -> memref<8x1024xf32, #tpu.memory_space<hbm>>
      %dma_start3A_15 = arith.constant 0 : i32
      %dma_start3A_16 = tpu.memref_slice %arg2[%dma_start3A_15, %mul3A_2] : memref<8x32768xf32, #tpu.memory_space<hbm>> -> memref<8x1024xf32, #tpu.memory_space<hbm>>
      tpu.enqueue_dma source(%dma_start3A_16 : memref<8x1024xf32, #tpu.memory_space<hbm>>) target(%arg8 : memref<8x1024xf32, #tpu.memory_space<vmem>>) target_semaphore(%run_scoped3A : memref<!tpu.dma_semaphore, #tpu.memory_space<semaphore_mem>>)
      %dma_wait3A = arith.constant 0 : i32
      %dma_wait3A_17 = tpu.memref_slice %arg2[%dma_wait3A, %mul3A_2] : memref<8x32768xf32, #tpu.memory_space<hbm>> -> memref<8x1024xf32, #tpu.memory_space<hbm>>
      %dma_wait3A_18 = arith.constant 0 : i32
      %dma_wait3A_19 = tpu.memref_slice %arg2[%dma_wait3A_18, %mul3A_2] : memref<8x32768xf32, #tpu.memory_space<hbm>> -> memref<8x1024xf32, #tpu.memory_space<hbm>>
      tpu.wait_dma2 semaphore(%run_scoped3A : memref<!tpu.dma_semaphore, #tpu.memory_space<semaphore_mem>>) src(%dma_wait3A_19 : memref<8x1024xf32, #tpu.memory_space<hbm>>) dst(%arg8 : memref<8x1024xf32, #tpu.memory_space<vmem>>)
      tpu.yield
    }) : () -> ()
    %broadcast_in_dim3A = arith.constant 0.000000e+00 : f32
    %broadcast_in_dim3A_3 = vector.broadcast %broadcast_in_dim3A : f32 to vector<16xf32>
    %broadcast_in_dim3A_4 = arith.constant 1.000000e+00 : f32
    %broadcast_in_dim3A_5 = vector.broadcast %broadcast_in_dim3A_4 : f32 to vector<16xf32>
    %swap3A = arith.constant 0 : index
    %swap3A_6 = tpu.vector_load %arg12[%swap3A] {strides = array<i32>} : memref<16xf32, #tpu.memory_space<vmem>>, vector<16xf32>,
    tpu.vector_store %arg12[%swap3A], %broadcast_in_dim3A_3 {strides = array<i32>} : memref<16xf32, #tpu.memory_space<vmem>>, vector<16xf32>,
    %swap3A_7 = arith.constant 0 : index
    %swap3A_8 = tpu.vector_load %arg13[%swap3A_7] {strides = array<i32>} : memref<16xf32, #tpu.memory_space<vmem>>, vector<16xf32>,
    tpu.vector_store %arg13[%swap3A_7], %broadcast_in_dim3A_3 {strides = array<i32>} : memref<16xf32, #tpu.memory_space<vmem>>, vector<16xf32>,
    %scan3A = arith.constant 0 : i32
    %scan3A_9 = arith.constant 0 : i32
    %scan3A_10 = arith.constant 64 : i32
    %scan3A_11 = arith.addi %scan3A_9, %scan3A_10 : i32
    %scan3A_12 = arith.constant 1 : i32
    scf.for %scan3A_14 = %scan3A_9 to %scan3A_11 step %scan3A_12  : i32 {
      %mul3A_15 = arith.constant 16 : i32
      %mul3A_16 = arith.muli %scan3A_14, %mul3A_15 : i32
      %get3A = arith.constant 0 : i32
      %get3A_17 = arith.index_cast %get3A : i32 to index
      %get3A_18 = arith.index_cast %mul3A_16 : i32 to index
      %get3A_19 = tpu.vector_load %arg8[%get3A_17, %get3A_18] {strides = array<i32>} : memref<8x1024xf32, #tpu.memory_space<vmem>>, vector<16xf32>,
      %get3A_20 = arith.constant 1 : i32
      %get3A_21 = arith.index_cast %get3A_20 : i32 to index
      %get3A_22 = arith.index_cast %mul3A_16 : i32 to index
      %get3A_23 = tpu.vector_load %arg8[%get3A_21, %get3A_22] {strides = array<i32>} : memref<8x1024xf32, #tpu.memory_space<vmem>>, vector<16xf32>,
      %get3A_24 = arith.constant 2 : i32
      %get3A_25 = arith.index_cast %get3A_24 : i32 to index
      %get3A_26 = arith.index_cast %mul3A_16 : i32 to index
      %get3A_27 = tpu.vector_load %arg8[%get3A_25, %get3A_26] {strides = array<i32>} : memref<8x1024xf32, #tpu.memory_space<vmem>>, vector<16xf32>,
      %get3A_28 = arith.constant 3 : i32
      %get3A_29 = arith.index_cast %get3A_28 : i32 to index
      %get3A_30 = arith.index_cast %mul3A_16 : i32 to index
      %get3A_31 = tpu.vector_load %arg8[%get3A_29, %get3A_30] {strides = array<i32>} : memref<8x1024xf32, #tpu.memory_space<vmem>>, vector<16xf32>,
      %get3A_32 = arith.constant 4 : i32
      %get3A_33 = arith.index_cast %get3A_32 : i32 to index
      %get3A_34 = arith.index_cast %mul3A_16 : i32 to index
      %get3A_35 = tpu.vector_load %arg8[%get3A_33, %get3A_34] {strides = array<i32>} : memref<8x1024xf32, #tpu.memory_space<vmem>>, vector<16xf32>,
      %get3A_36 = arith.constant 5 : i32
      %get3A_37 = arith.index_cast %get3A_36 : i32 to index
      %get3A_38 = arith.index_cast %mul3A_16 : i32 to index
      %get3A_39 = tpu.vector_load %arg8[%get3A_37, %get3A_38] {strides = array<i32>} : memref<8x1024xf32, #tpu.memory_space<vmem>>, vector<16xf32>,
      %get3A_40 = arith.constant 6 : i32
      %get3A_41 = arith.index_cast %get3A_40 : i32 to index
      %get3A_42 = arith.index_cast %mul3A_16 : i32 to index
      %get3A_43 = tpu.vector_load %arg8[%get3A_41, %get3A_42] {strides = array<i32>} : memref<8x1024xf32, #tpu.memory_space<vmem>>, vector<16xf32>,
      %get3A_44 = arith.constant 7 : i32
      %get3A_45 = arith.index_cast %get3A_44 : i32 to index
      %get3A_46 = arith.index_cast %mul3A_16 : i32 to index
      %get3A_47 = tpu.vector_load %arg8[%get3A_45, %get3A_46] {strides = array<i32>} : memref<8x1024xf32, #tpu.memory_space<vmem>>, vector<16xf32>,
      %max3A = arith.maximumf %get3A_19, %get3A_23 : vector<16xf32>
      %max3A_48 = arith.maximumf %max3A, %get3A_27 : vector<16xf32>
      %max3A_49 = arith.maximumf %max3A_48, %get3A_31 : vector<16xf32>
      %max3A_50 = arith.maximumf %max3A_49, %get3A_35 : vector<16xf32>
      %max3A_51 = arith.maximumf %max3A_50, %get3A_39 : vector<16xf32>
      %max3A_52 = arith.maximumf %max3A_51, %get3A_43 : vector<16xf32>
      %max3A_53 = arith.maximumf %max3A_52, %get3A_47 : vector<16xf32>
      %sub3A = arith.subf %get3A_19, %max3A_53 : vector<16xf32>
      %exp3A = math.exp %sub3A : vector<16xf32>
      %sub3A_54 = arith.subf %get3A_23, %max3A_53 : vector<16xf32>
      %exp3A_55 = math.exp %sub3A_54 : vector<16xf32>
      %sub3A_56 = arith.subf %get3A_27, %max3A_53 : vector<16xf32>
      %exp3A_57 = math.exp %sub3A_56 : vector<16xf32>
      %sub3A_58 = arith.subf %get3A_31, %max3A_53 : vector<16xf32>
      %exp3A_59 = math.exp %sub3A_58 : vector<16xf32>
      %sub3A_60 = arith.subf %get3A_35, %max3A_53 : vector<16xf32>
      %exp3A_61 = math.exp %sub3A_60 : vector<16xf32>
      %sub3A_62 = arith.subf %get3A_39, %max3A_53 : vector<16xf32>
      %exp3A_63 = math.exp %sub3A_62 : vector<16xf32>
      %sub3A_64 = arith.subf %get3A_43, %max3A_53 : vector<16xf32>
      %exp3A_65 = math.exp %sub3A_64 : vector<16xf32>
      %sub3A_66 = arith.subf %get3A_47, %max3A_53 : vector<16xf32>
      %exp3A_67 = math.exp %sub3A_66 : vector<16xf32>
      %add3A_68 = arith.addf %exp3A, %exp3A_55 : vector<16xf32>
      %add3A_69 = arith.addf %add3A_68, %exp3A_57 : vector<16xf32>
      %add3A_70 = arith.addf %add3A_69, %exp3A_59 : vector<16xf32>
      %add3A_71 = arith.addf %add3A_70, %exp3A_61 : vector<16xf32>
      %add3A_72 = arith.addf %add3A_71, %exp3A_63 : vector<16xf32>
      %add3A_73 = arith.addf %add3A_72, %exp3A_65 : vector<16xf32>
      %add3A_74 = arith.addf %add3A_73, %exp3A_67 : vector<16xf32>
      %div3A = arith.constant 1.000000e+00 : f32
      %div3A_75 = vector.broadcast %div3A : f32 to vector<16xf32>
      %div3A_76 = arith.divf %div3A_75, %add3A_74 : vector<16xf32>
      %mul3A_77 = arith.mulf %exp3A, %div3A_76 : vector<16xf32>
      %mul3A_78 = arith.mulf %exp3A_55, %div3A_76 : vector<16xf32>
      %mul3A_79 = arith.mulf %exp3A_57, %div3A_76 : vector<16xf32>
      %mul3A_80 = arith.mulf %exp3A_59, %div3A_76 : vector<16xf32>
      %mul3A_81 = arith.mulf %exp3A_61, %div3A_76 : vector<16xf32>
      %mul3A_82 = arith.mulf %exp3A_63, %div3A_76 : vector<16xf32>
      %mul3A_83 = arith.mulf %exp3A_65, %div3A_76 : vector<16xf32>
      %mul3A_84 = arith.mulf %exp3A_67, %div3A_76 : vector<16xf32>
      %broadcast_in_dim3A_85 = arith.constant 0 : i32
      %broadcast_in_dim3A_86 = vector.broadcast %broadcast_in_dim3A_85 : i32 to vector<16xi32>
      %gt3A = arith.cmpf ogt, %mul3A_78, %mul3A_77 : vector<16xf32>
      %select_n3A = arith.select %gt3A, %mul3A_78, %mul3A_77 : vector<16xi1>, vector<16xf32>
      %jit3A = arith.constant 1 : i32
      %broadcast_in_dim3A_87 = vector.broadcast %jit3A : i32 to vector<16xi32>
      %select_n3A_88 = arith.select %gt3A, %broadcast_in_dim3A_87, %broadcast_in_dim3A_86 : vector<16xi1>, vector<16xi32>
      %gt3A_89 = arith.cmpf ogt, %mul3A_79, %select_n3A : vector<16xf32>
      %select_n3A_90 = arith.select %gt3A_89, %mul3A_79, %select_n3A : vector<16xi1>, vector<16xf32>
      %jit3A_91 = arith.constant 2 : i32
      %broadcast_in_dim3A_92 = vector.broadcast %jit3A_91 : i32 to vector<16xi32>
      %select_n3A_93 = arith.select %gt3A_89, %broadcast_in_dim3A_92, %select_n3A_88 : vector<16xi1>, vector<16xi32>
      %gt3A_94 = arith.cmpf ogt, %mul3A_80, %select_n3A_90 : vector<16xf32>
      %select_n3A_95 = arith.select %gt3A_94, %mul3A_80, %select_n3A_90 : vector<16xi1>, vector<16xf32>
      %jit3A_96 = arith.constant 3 : i32
      %broadcast_in_dim3A_97 = vector.broadcast %jit3A_96 : i32 to vector<16xi32>
      %select_n3A_98 = arith.select %gt3A_94, %broadcast_in_dim3A_97, %select_n3A_93 : vector<16xi1>, vector<16xi32>
      %gt3A_99 = arith.cmpf ogt, %mul3A_81, %select_n3A_95 : vector<16xf32>
      %select_n3A_100 = arith.select %gt3A_99, %mul3A_81, %select_n3A_95 : vector<16xi1>, vector<16xf32>
      %jit3A_101 = arith.constant 4 : i32
      %broadcast_in_dim3A_102 = vector.broadcast %jit3A_101 : i32 to vector<16xi32>
      %select_n3A_103 = arith.select %gt3A_99, %broadcast_in_dim3A_102, %select_n3A_98 : vector<16xi1>, vector<16xi32>
      %gt3A_104 = arith.cmpf ogt, %mul3A_82, %select_n3A_100 : vector<16xf32>
      %select_n3A_105 = arith.select %gt3A_104, %mul3A_82, %select_n3A_100 : vector<16xi1>, vector<16xf32>
      %jit3A_106 = arith.constant 5 : i32
      %broadcast_in_dim3A_107 = vector.broadcast %jit3A_106 : i32 to vector<16xi32>
      %select_n3A_108 = arith.select %gt3A_104, %broadcast_in_dim3A_107, %select_n3A_103 : vector<16xi1>, vector<16xi32>
      %gt3A_109 = arith.cmpf ogt, %mul3A_83, %select_n3A_105 : vector<16xf32>
      %select_n3A_110 = arith.select %gt3A_109, %mul3A_83, %select_n3A_105 : vector<16xi1>, vector<16xf32>
      %jit3A_111 = arith.constant 6 : i32
      %broadcast_in_dim3A_112 = vector.broadcast %jit3A_111 : i32 to vector<16xi32>
      %select_n3A_113 = arith.select %gt3A_109, %broadcast_in_dim3A_112, %select_n3A_108 : vector<16xi1>, vector<16xi32>
      %gt3A_114 = arith.cmpf ogt, %mul3A_84, %select_n3A_110 : vector<16xf32>
      %select_n3A_115 = arith.select %gt3A_114, %mul3A_84, %select_n3A_110 : vector<16xi1>, vector<16xf32>
      %jit3A_116 = arith.constant 7 : i32
      %broadcast_in_dim3A_117 = vector.broadcast %jit3A_116 : i32 to vector<16xi32>
      %select_n3A_118 = arith.select %gt3A_114, %broadcast_in_dim3A_117, %select_n3A_113 : vector<16xi1>, vector<16xi32>
      %broadcast_in_dim3A_119 = arith.constant -1.000000e+00 : f32
      %broadcast_in_dim3A_120 = vector.broadcast %broadcast_in_dim3A_119 : f32 to vector<16xf32>
      %broadcast_in_dim3A_121 = arith.constant 0 : i32
      %broadcast_in_dim3A_122 = vector.broadcast %broadcast_in_dim3A_121 : i32 to vector<16xi32>
      %gt3A_123 = arith.cmpf ogt, %mul3A_77, %broadcast_in_dim3A_120 : vector<16xf32>
      %ne3A = arith.constant 0 : i32
      %ne3A_124 = vector.broadcast %ne3A : i32 to vector<16xi32>
      %ne3A_125 = arith.cmpi ne, %select_n3A_118, %ne3A_124 : vector<16xi32>
      %and3A = arith.andi %gt3A_123, %ne3A_125 : vector<16xi1>
      %select_n3A_126 = arith.select %and3A, %mul3A_77, %broadcast_in_dim3A_120 : vector<16xi1>, vector<16xf32>
      %jit3A_127 = arith.constant 0 : i32
      %broadcast_in_dim3A_128 = vector.broadcast %jit3A_127 : i32 to vector<16xi32>
      %select_n3A_129 = arith.select %and3A, %broadcast_in_dim3A_128, %broadcast_in_dim3A_122 : vector<16xi1>, vector<16xi32>
      %gt3A_130 = arith.cmpf ogt, %mul3A_78, %select_n3A_126 : vector<16xf32>
      %ne3A_131 = arith.constant 1 : i32
      %ne3A_132 = vector.broadcast %ne3A_131 : i32 to vector<16xi32>
      %ne3A_133 = arith.cmpi ne, %select_n3A_118, %ne3A_132 : vector<16xi32>
      %and3A_134 = arith.andi %gt3A_130, %ne3A_133 : vector<16xi1>
      %select_n3A_135 = arith.select %and3A_134, %mul3A_78, %select_n3A_126 : vector<16xi1>, vector<16xf32>
      %jit3A_136 = arith.constant 1 : i32
      %broadcast_in_dim3A_137 = vector.broadcast %jit3A_136 : i32 to vector<16xi32>
      %select_n3A_138 = arith.select %and3A_134, %broadcast_in_dim3A_137, %select_n3A_129 : vector<16xi1>, vector<16xi32>
      %gt3A_139 = arith.cmpf ogt, %mul3A_79, %select_n3A_135 : vector<16xf32>
      %ne3A_140 = arith.constant 2 : i32
      %ne3A_141 = vector.broadcast %ne3A_140 : i32 to vector<16xi32>
      %ne3A_142 = arith.cmpi ne, %select_n3A_118, %ne3A_141 : vector<16xi32>
      %and3A_143 = arith.andi %gt3A_139, %ne3A_142 : vector<16xi1>
      %select_n3A_144 = arith.select %and3A_143, %mul3A_79, %select_n3A_135 : vector<16xi1>, vector<16xf32>
      %jit3A_145 = arith.constant 2 : i32
      %broadcast_in_dim3A_146 = vector.broadcast %jit3A_145 : i32 to vector<16xi32>
      %select_n3A_147 = arith.select %and3A_143, %broadcast_in_dim3A_146, %select_n3A_138 : vector<16xi1>, vector<16xi32>
      %gt3A_148 = arith.cmpf ogt, %mul3A_80, %select_n3A_144 : vector<16xf32>
      %ne3A_149 = arith.constant 3 : i32
      %ne3A_150 = vector.broadcast %ne3A_149 : i32 to vector<16xi32>
      %ne3A_151 = arith.cmpi ne, %select_n3A_118, %ne3A_150 : vector<16xi32>
      %and3A_152 = arith.andi %gt3A_148, %ne3A_151 : vector<16xi1>
      %select_n3A_153 = arith.select %and3A_152, %mul3A_80, %select_n3A_144 : vector<16xi1>, vector<16xf32>
      %jit3A_154 = arith.constant 3 : i32
      %broadcast_in_dim3A_155 = vector.broadcast %jit3A_154 : i32 to vector<16xi32>
      %select_n3A_156 = arith.select %and3A_152, %broadcast_in_dim3A_155, %select_n3A_147 : vector<16xi1>, vector<16xi32>
      %gt3A_157 = arith.cmpf ogt, %mul3A_81, %select_n3A_153 : vector<16xf32>
      %ne3A_158 = arith.constant 4 : i32
      %ne3A_159 = vector.broadcast %ne3A_158 : i32 to vector<16xi32>
      %ne3A_160 = arith.cmpi ne, %select_n3A_118, %ne3A_159 : vector<16xi32>
      %and3A_161 = arith.andi %gt3A_157, %ne3A_160 : vector<16xi1>
      %select_n3A_162 = arith.select %and3A_161, %mul3A_81, %select_n3A_153 : vector<16xi1>, vector<16xf32>
      %jit3A_163 = arith.constant 4 : i32
      %broadcast_in_dim3A_164 = vector.broadcast %jit3A_163 : i32 to vector<16xi32>
      %select_n3A_165 = arith.select %and3A_161, %broadcast_in_dim3A_164, %select_n3A_156 : vector<16xi1>, vector<16xi32>
      %gt3A_166 = arith.cmpf ogt, %mul3A_82, %select_n3A_162 : vector<16xf32>
      %ne3A_167 = arith.constant 5 : i32
      %ne3A_168 = vector.broadcast %ne3A_167 : i32 to vector<16xi32>
      %ne3A_169 = arith.cmpi ne, %select_n3A_118, %ne3A_168 : vector<16xi32>
      %and3A_170 = arith.andi %gt3A_166, %ne3A_169 : vector<16xi1>
      %select_n3A_171 = arith.select %and3A_170, %mul3A_82, %select_n3A_162 : vector<16xi1>, vector<16xf32>
      %jit3A_172 = arith.constant 5 : i32
      %broadcast_in_dim3A_173 = vector.broadcast %jit3A_172 : i32 to vector<16xi32>
      %select_n3A_174 = arith.select %and3A_170, %broadcast_in_dim3A_173, %select_n3A_165 : vector<16xi1>, vector<16xi32>
      %gt3A_175 = arith.cmpf ogt, %mul3A_83, %select_n3A_171 : vector<16xf32>
      %ne3A_176 = arith.constant 6 : i32
      %ne3A_177 = vector.broadcast %ne3A_176 : i32 to vector<16xi32>
      %ne3A_178 = arith.cmpi ne, %select_n3A_118, %ne3A_177 : vector<16xi32>
      %and3A_179 = arith.andi %gt3A_175, %ne3A_178 : vector<16xi1>
      %select_n3A_180 = arith.select %and3A_179, %mul3A_83, %select_n3A_171 : vector<16xi1>, vector<16xf32>
      %jit3A_181 = arith.constant 6 : i32
      %broadcast_in_dim3A_182 = vector.broadcast %jit3A_181 : i32 to vector<16xi32>
      %select_n3A_183 = arith.select %and3A_179, %broadcast_in_dim3A_182, %select_n3A_174 : vector<16xi1>, vector<16xi32>
      %gt3A_184 = arith.cmpf ogt, %mul3A_84, %select_n3A_180 : vector<16xf32>
      %ne3A_185 = arith.constant 7 : i32
      %ne3A_186 = vector.broadcast %ne3A_185 : i32 to vector<16xi32>
      %ne3A_187 = arith.cmpi ne, %select_n3A_118, %ne3A_186 : vector<16xi32>
      %and3A_188 = arith.andi %gt3A_184, %ne3A_187 : vector<16xi1>
      %select_n3A_189 = arith.select %and3A_188, %mul3A_84, %select_n3A_180 : vector<16xi1>, vector<16xf32>
      %jit3A_190 = arith.constant 7 : i32
      %broadcast_in_dim3A_191 = vector.broadcast %jit3A_190 : i32 to vector<16xi32>
      %select_n3A_192 = arith.select %and3A_188, %broadcast_in_dim3A_191, %select_n3A_183 : vector<16xi1>, vector<16xi32>
      %add3A_193 = arith.addf %select_n3A_115, %select_n3A_189 : vector<16xf32>
      %add3A_194 = arith.constant 9.99999993E-9 : f32
      %add3A_195 = vector.broadcast %add3A_194 : f32 to vector<16xf32>
      %add3A_196 = arith.addf %add3A_193, %add3A_195 : vector<16xf32>
      %div3A_197 = arith.constant 1.000000e+00 : f32
      %div3A_198 = vector.broadcast %div3A_197 : f32 to vector<16xf32>
      %div3A_199 = arith.divf %div3A_198, %add3A_196 : vector<16xf32>
      %mul3A_200 = arith.mulf %select_n3A_115, %div3A_199 : vector<16xf32>
      %mul3A_201 = arith.mulf %select_n3A_189, %div3A_199 : vector<16xf32>
      %swap3A_202 = arith.constant 0 : i32
      %swap3A_203 = arith.index_cast %swap3A_202 : i32 to index
      %swap3A_204 = arith.index_cast %mul3A_16 : i32 to index
      %swap3A_205 = tpu.vector_load %arg9[%swap3A_203, %swap3A_204] {strides = array<i32>} : memref<8x1024xf32, #tpu.memory_space<vmem>>, vector<16xf32>,
      tpu.vector_store %arg9[%swap3A_203, %swap3A_204], %mul3A_77 {strides = array<i32>} : memref<8x1024xf32, #tpu.memory_space<vmem>>, vector<16xf32>,
      %swap3A_206 = arith.constant 1 : i32
      %swap3A_207 = arith.index_cast %swap3A_206 : i32 to index
      %swap3A_208 = arith.index_cast %mul3A_16 : i32 to index
      %swap3A_209 = tpu.vector_load %arg9[%swap3A_207, %swap3A_208] {strides = array<i32>} : memref<8x1024xf32, #tpu.memory_space<vmem>>, vector<16xf32>,
      tpu.vector_store %arg9[%swap3A_207, %swap3A_208], %mul3A_78 {strides = array<i32>} : memref<8x1024xf32, #tpu.memory_space<vmem>>, vector<16xf32>,
      %swap3A_210 = arith.constant 2 : i32
      %swap3A_211 = arith.index_cast %swap3A_210 : i32 to index
      %swap3A_212 = arith.index_cast %mul3A_16 : i32 to index
      %swap3A_213 = tpu.vector_load %arg9[%swap3A_211, %swap3A_212] {strides = array<i32>} : memref<8x1024xf32, #tpu.memory_space<vmem>>, vector<16xf32>,
      tpu.vector_store %arg9[%swap3A_211, %swap3A_212], %mul3A_79 {strides = array<i32>} : memref<8x1024xf32, #tpu.memory_space<vmem>>, vector<16xf32>,
      %swap3A_214 = arith.constant 3 : i32
      %swap3A_215 = arith.index_cast %swap3A_214 : i32 to index
      %swap3A_216 = arith.index_cast %mul3A_16 : i32 to index
      %swap3A_217 = tpu.vector_load %arg9[%swap3A_215, %swap3A_216] {strides = array<i32>} : memref<8x1024xf32, #tpu.memory_space<vmem>>, vector<16xf32>,
      tpu.vector_store %arg9[%swap3A_215, %swap3A_216], %mul3A_80 {strides = array<i32>} : memref<8x1024xf32, #tpu.memory_space<vmem>>, vector<16xf32>,
      %swap3A_218 = arith.constant 4 : i32
      %swap3A_219 = arith.index_cast %swap3A_218 : i32 to index
      %swap3A_220 = arith.index_cast %mul3A_16 : i32 to index
      %swap3A_221 = tpu.vector_load %arg9[%swap3A_219, %swap3A_220] {strides = array<i32>} : memref<8x1024xf32, #tpu.memory_space<vmem>>, vector<16xf32>,
      tpu.vector_store %arg9[%swap3A_219, %swap3A_220], %mul3A_81 {strides = array<i32>} : memref<8x1024xf32, #tpu.memory_space<vmem>>, vector<16xf32>,
      %swap3A_222 = arith.constant 5 : i32
      %swap3A_223 = arith.index_cast %swap3A_222 : i32 to index
      %swap3A_224 = arith.index_cast %mul3A_16 : i32 to index
      %swap3A_225 = tpu.vector_load %arg9[%swap3A_223, %swap3A_224] {strides = array<i32>} : memref<8x1024xf32, #tpu.memory_space<vmem>>, vector<16xf32>,
      tpu.vector_store %arg9[%swap3A_223, %swap3A_224], %mul3A_82 {strides = array<i32>} : memref<8x1024xf32, #tpu.memory_space<vmem>>, vector<16xf32>,
      %swap3A_226 = arith.constant 6 : i32
      %swap3A_227 = arith.index_cast %swap3A_226 : i32 to index
      %swap3A_228 = arith.index_cast %mul3A_16 : i32 to index
      %swap3A_229 = tpu.vector_load %arg9[%swap3A_227, %swap3A_228] {strides = array<i32>} : memref<8x1024xf32, #tpu.memory_space<vmem>>, vector<16xf32>,
      tpu.vector_store %arg9[%swap3A_227, %swap3A_228], %mul3A_83 {strides = array<i32>} : memref<8x1024xf32, #tpu.memory_space<vmem>>, vector<16xf32>,
      %swap3A_230 = arith.constant 7 : i32
      %swap3A_231 = arith.index_cast %swap3A_230 : i32 to index
      %swap3A_232 = arith.index_cast %mul3A_16 : i32 to index
      %swap3A_233 = tpu.vector_load %arg9[%swap3A_231, %swap3A_232] {strides = array<i32>} : memref<8x1024xf32, #tpu.memory_space<vmem>>, vector<16xf32>,
      tpu.vector_store %arg9[%swap3A_231, %swap3A_232], %mul3A_84 {strides = array<i32>} : memref<8x1024xf32, #tpu.memory_space<vmem>>, vector<16xf32>,
      %swap3A_234 = arith.constant 0 : i32
      %swap3A_235 = arith.index_cast %swap3A_234 : i32 to index
      %swap3A_236 = arith.index_cast %mul3A_16 : i32 to index
      %swap3A_237 = tpu.vector_load %arg10[%swap3A_235, %swap3A_236] {strides = array<i32>} : memref<2x1024xf32, #tpu.memory_space<vmem>>, vector<16xf32>,
      tpu.vector_store %arg10[%swap3A_235, %swap3A_236], %mul3A_200 {strides = array<i32>} : memref<2x1024xf32, #tpu.memory_space<vmem>>, vector<16xf32>,
      %swap3A_238 = arith.constant 1 : i32
      %swap3A_239 = arith.index_cast %swap3A_238 : i32 to index
      %swap3A_240 = arith.index_cast %mul3A_16 : i32 to index
      %swap3A_241 = tpu.vector_load %arg10[%swap3A_239, %swap3A_240] {strides = array<i32>} : memref<2x1024xf32, #tpu.memory_space<vmem>>, vector<16xf32>,
      tpu.vector_store %arg10[%swap3A_239, %swap3A_240], %mul3A_201 {strides = array<i32>} : memref<2x1024xf32, #tpu.memory_space<vmem>>, vector<16xf32>,
      %swap3A_242 = arith.constant 0 : i32
      %swap3A_243 = arith.index_cast %swap3A_242 : i32 to index
      %swap3A_244 = arith.index_cast %mul3A_16 : i32 to index
      %swap3A_245 = tpu.vector_load %arg11[%swap3A_243, %swap3A_244] {strides = array<i32>} : memref<2x1024xi32, #tpu.memory_space<vmem>>, vector<16xi32>,
      tpu.vector_store %arg11[%swap3A_243, %swap3A_244], %select_n3A_118 {strides = array<i32>} : memref<2x1024xi32, #tpu.memory_space<vmem>>, vector<16xi32>,
      %swap3A_246 = arith.constant 1 : i32
      %swap3A_247 = arith.index_cast %swap3A_246 : i32 to index
      %swap3A_248 = arith.index_cast %mul3A_16 : i32 to index
      %swap3A_249 = tpu.vector_load %arg11[%swap3A_247, %swap3A_248] {strides = array<i32>} : memref<2x1024xi32, #tpu.memory_space<vmem>>, vector<16xi32>,
      tpu.vector_store %arg11[%swap3A_247, %swap3A_248], %select_n3A_192 {strides = array<i32>} : memref<2x1024xi32, #tpu.memory_space<vmem>>, vector<16xi32>,
      tpu.vector_store_idx %arg12[%select_n3A_118], %mul3A_200 {add = true} : memref<16xf32, #tpu.memory_space<vmem>>[vector<16xi32>], vector<16xf32>,
      tpu.vector_store_idx %arg12[%select_n3A_192], %mul3A_201 {add = true} : memref<16xf32, #tpu.memory_space<vmem>>[vector<16xi32>], vector<16xf32>,
      tpu.vector_store_idx %arg13[%select_n3A_118], %broadcast_in_dim3A_5 {add = true} : memref<16xf32, #tpu.memory_space<vmem>>[vector<16xi32>], vector<16xf32>,
      tpu.vector_store_idx %arg13[%select_n3A_192], %broadcast_in_dim3A_5 {add = true} : memref<16xf32, #tpu.memory_space<vmem>>[vector<16xi32>], vector<16xf32>,
    }
    %scan3A_13 = arith.constant 64 : i32
    "tpu.region"() ({
      %run_scoped3A = tpu.sem_alloc : memref<!tpu.dma_semaphore, #tpu.memory_space<semaphore_mem>>
      %dma_start3A = arith.constant 0 : i32
      %dma_start3A_14 = tpu.memref_slice %arg3[%dma_start3A, %mul3A_2] : memref<8x32768xf32, #tpu.memory_space<hbm>> -> memref<8x1024xf32, #tpu.memory_space<hbm>>
      %dma_start3A_15 = arith.constant 0 : i32
      %dma_start3A_16 = tpu.memref_slice %arg3[%dma_start3A_15, %mul3A_2] : memref<8x32768xf32, #tpu.memory_space<hbm>> -> memref<8x1024xf32, #tpu.memory_space<hbm>>
      tpu.enqueue_dma source(%arg9 : memref<8x1024xf32, #tpu.memory_space<vmem>>) target(%dma_start3A_16 : memref<8x1024xf32, #tpu.memory_space<hbm>>) target_semaphore(%run_scoped3A : memref<!tpu.dma_semaphore, #tpu.memory_space<semaphore_mem>>)
      %dma_wait3A = arith.constant 0 : i32
      %dma_wait3A_17 = tpu.memref_slice %arg3[%dma_wait3A, %mul3A_2] : memref<8x32768xf32, #tpu.memory_space<hbm>> -> memref<8x1024xf32, #tpu.memory_space<hbm>>
      %dma_wait3A_18 = arith.constant 0 : i32
      %dma_wait3A_19 = tpu.memref_slice %arg3[%dma_wait3A_18, %mul3A_2] : memref<8x32768xf32, #tpu.memory_space<hbm>> -> memref<8x1024xf32, #tpu.memory_space<hbm>>
      tpu.wait_dma2 semaphore(%run_scoped3A : memref<!tpu.dma_semaphore, #tpu.memory_space<semaphore_mem>>) src(%arg9 : memref<8x1024xf32, #tpu.memory_space<vmem>>) dst(%dma_wait3A_19 : memref<8x1024xf32, #tpu.memory_space<hbm>>)
      tpu.yield
    }) : () -> ()
    "tpu.region"() ({
      %run_scoped3A = tpu.sem_alloc : memref<!tpu.dma_semaphore, #tpu.memory_space<semaphore_mem>>
      %dma_start3A = arith.constant 0 : i32
      %dma_start3A_14 = tpu.memref_slice %arg4[%dma_start3A, %mul3A_2] : memref<2x32768xf32, #tpu.memory_space<hbm>> -> memref<2x1024xf32, #tpu.memory_space<hbm>>
      %dma_start3A_15 = arith.constant 0 : i32
      %dma_start3A_16 = tpu.memref_slice %arg4[%dma_start3A_15, %mul3A_2] : memref<2x32768xf32, #tpu.memory_space<hbm>> -> memref<2x1024xf32, #tpu.memory_space<hbm>>
      tpu.enqueue_dma source(%arg10 : memref<2x1024xf32, #tpu.memory_space<vmem>>) target(%dma_start3A_16 : memref<2x1024xf32, #tpu.memory_space<hbm>>) target_semaphore(%run_scoped3A : memref<!tpu.dma_semaphore, #tpu.memory_space<semaphore_mem>>)
      %dma_wait3A = arith.constant 0 : i32
      %dma_wait3A_17 = tpu.memref_slice %arg4[%dma_wait3A, %mul3A_2] : memref<2x32768xf32, #tpu.memory_space<hbm>> -> memref<2x1024xf32, #tpu.memory_space<hbm>>
      %dma_wait3A_18 = arith.constant 0 : i32
      %dma_wait3A_19 = tpu.memref_slice %arg4[%dma_wait3A_18, %mul3A_2] : memref<2x32768xf32, #tpu.memory_space<hbm>> -> memref<2x1024xf32, #tpu.memory_space<hbm>>
      tpu.wait_dma2 semaphore(%run_scoped3A : memref<!tpu.dma_semaphore, #tpu.memory_space<semaphore_mem>>) src(%arg10 : memref<2x1024xf32, #tpu.memory_space<vmem>>) dst(%dma_wait3A_19 : memref<2x1024xf32, #tpu.memory_space<hbm>>)
      tpu.yield
    }) : () -> ()
    "tpu.region"() ({
      %run_scoped3A = tpu.sem_alloc : memref<!tpu.dma_semaphore, #tpu.memory_space<semaphore_mem>>
      %dma_start3A = arith.constant 0 : i32
      %dma_start3A_14 = tpu.memref_slice %arg5[%dma_start3A, %mul3A_2] : memref<2x32768xi32, #tpu.memory_space<hbm>> -> memref<2x1024xi32, #tpu.memory_space<hbm>>
      %dma_start3A_15 = arith.constant 0 : i32
      %dma_start3A_16 = tpu.memref_slice %arg5[%dma_start3A_15, %mul3A_2] : memref<2x32768xi32, #tpu.memory_space<hbm>> -> memref<2x1024xi32, #tpu.memory_space<hbm>>
      tpu.enqueue_dma source(%arg11 : memref<2x1024xi32, #tpu.memory_space<vmem>>) target(%dma_start3A_16 : memref<2x1024xi32, #tpu.memory_space<hbm>>) target_semaphore(%run_scoped3A : memref<!tpu.dma_semaphore, #tpu.memory_space<semaphore_mem>>)
      %dma_wait3A = arith.constant 0 : i32
      %dma_wait3A_17 = tpu.memref_slice %arg5[%dma_wait3A, %mul3A_2] : memref<2x32768xi32, #tpu.memory_space<hbm>> -> memref<2x1024xi32, #tpu.memory_space<hbm>>
      %dma_wait3A_18 = arith.constant 0 : i32
      %dma_wait3A_19 = tpu.memref_slice %arg5[%dma_wait3A_18, %mul3A_2] : memref<2x32768xi32, #tpu.memory_space<hbm>> -> memref<2x1024xi32, #tpu.memory_space<hbm>>
      tpu.wait_dma2 semaphore(%run_scoped3A : memref<!tpu.dma_semaphore, #tpu.memory_space<semaphore_mem>>) src(%arg11 : memref<2x1024xi32, #tpu.memory_space<vmem>>) dst(%dma_wait3A_19 : memref<2x1024xi32, #tpu.memory_space<hbm>>)
      tpu.yield
    }) : () -> ()
    "tpu.region"() ({
      %run_scoped3A = tpu.sem_alloc : memref<!tpu.dma_semaphore, #tpu.memory_space<semaphore_mem>>
      %dma_start3A = arith.constant 0 : i32
      %dma_start3A_14 = tpu.memref_slice %arg6[%add3A, %dma_start3A] : memref<32x16xf32, #tpu.memory_space<hbm>> -> memref<1x16xf32, #tpu.memory_space<hbm>>
      %dma_start3A_15 = tpu.memref_squeeze %dma_start3A_14 : memref<1x16xf32, #tpu.memory_space<hbm>> -> memref<16xf32, #tpu.memory_space<hbm>>
      %dma_start3A_16 = arith.constant 0 : i32
      %dma_start3A_17 = tpu.memref_slice %arg6[%add3A, %dma_start3A_16] : memref<32x16xf32, #tpu.memory_space<hbm>> -> memref<1x16xf32, #tpu.memory_space<hbm>>
      %dma_start3A_18 = tpu.memref_squeeze %dma_start3A_17 : memref<1x16xf32, #tpu.memory_space<hbm>> -> memref<16xf32, #tpu.memory_space<hbm>>
      tpu.enqueue_dma source(%arg12 : memref<16xf32, #tpu.memory_space<vmem>>) target(%dma_start3A_18 : memref<16xf32, #tpu.memory_space<hbm>>) target_semaphore(%run_scoped3A : memref<!tpu.dma_semaphore, #tpu.memory_space<semaphore_mem>>)
      %dma_wait3A = arith.constant 0 : i32
      %dma_wait3A_19 = tpu.memref_slice %arg6[%add3A, %dma_wait3A] : memref<32x16xf32, #tpu.memory_space<hbm>> -> memref<1x16xf32, #tpu.memory_space<hbm>>
      %dma_wait3A_20 = tpu.memref_squeeze %dma_wait3A_19 : memref<1x16xf32, #tpu.memory_space<hbm>> -> memref<16xf32, #tpu.memory_space<hbm>>
      %dma_wait3A_21 = arith.constant 0 : i32
      %dma_wait3A_22 = tpu.memref_slice %arg6[%add3A, %dma_wait3A_21] : memref<32x16xf32, #tpu.memory_space<hbm>> -> memref<1x16xf32, #tpu.memory_space<hbm>>
      %dma_wait3A_23 = tpu.memref_squeeze %dma_wait3A_22 : memref<1x16xf32, #tpu.memory_space<hbm>> -> memref<16xf32, #tpu.memory_space<hbm>>
      tpu.wait_dma2 semaphore(%run_scoped3A : memref<!tpu.dma_semaphore, #tpu.memory_space<semaphore_mem>>) src(%arg12 : memref<16xf32, #tpu.memory_space<vmem>>) dst(%dma_wait3A_23 : memref<16xf32, #tpu.memory_space<hbm>>)
      tpu.yield
    }) : () -> ()
    "tpu.region"() ({
      %run_scoped3A = tpu.sem_alloc : memref<!tpu.dma_semaphore, #tpu.memory_space<semaphore_mem>>
      %dma_start3A = arith.constant 0 : i32
      %dma_start3A_14 = tpu.memref_slice %arg7[%add3A, %dma_start3A] : memref<32x16xf32, #tpu.memory_space<hbm>> -> memref<1x16xf32, #tpu.memory_space<hbm>>
      %dma_start3A_15 = tpu.memref_squeeze %dma_start3A_14 : memref<1x16xf32, #tpu.memory_space<hbm>> -> memref<16xf32, #tpu.memory_space<hbm>>
      %dma_start3A_16 = arith.constant 0 : i32
      %dma_start3A_17 = tpu.memref_slice %arg7[%add3A, %dma_start3A_16] : memref<32x16xf32, #tpu.memory_space<hbm>> -> memref<1x16xf32, #tpu.memory_space<hbm>>
      %dma_start3A_18 = tpu.memref_squeeze %dma_start3A_17 : memref<1x16xf32, #tpu.memory_space<hbm>> -> memref<16xf32, #tpu.memory_space<hbm>>
      tpu.enqueue_dma source(%arg13 : memref<16xf32, #tpu.memory_space<vmem>>) target(%dma_start3A_18 : memref<16xf32, #tpu.memory_space<hbm>>) target_semaphore(%run_scoped3A : memref<!tpu.dma_semaphore, #tpu.memory_space<semaphore_mem>>)
      %dma_wait3A = arith.constant 0 : i32
      %dma_wait3A_19 = tpu.memref_slice %arg7[%add3A, %dma_wait3A] : memref<32x16xf32, #tpu.memory_space<hbm>> -> memref<1x16xf32, #tpu.memory_space<hbm>>
      %dma_wait3A_20 = tpu.memref_squeeze %dma_wait3A_19 : memref<1x16xf32, #tpu.memory_space<hbm>> -> memref<16xf32, #tpu.memory_space<hbm>>
      %dma_wait3A_21 = arith.constant 0 : i32
      %dma_wait3A_22 = tpu.memref_slice %arg7[%add3A, %dma_wait3A_21] : memref<32x16xf32, #tpu.memory_space<hbm>> -> memref<1x16xf32, #tpu.memory_space<hbm>>
      %dma_wait3A_23 = tpu.memref_squeeze %dma_wait3A_22 : memref<1x16xf32, #tpu.memory_space<hbm>> -> memref<16xf32, #tpu.memory_space<hbm>>
      tpu.wait_dma2 semaphore(%run_scoped3A : memref<!tpu.dma_semaphore, #tpu.memory_space<semaphore_mem>>) src(%arg13 : memref<16xf32, #tpu.memory_space<vmem>>) dst(%dma_wait3A_23 : memref<16xf32, #tpu.memory_space<hbm>>)
      tpu.yield
    }) : () -> ()
    return
  }
}

module attributes {stable_mosaic.version = 14 : i64} {
  func.func @_gate_kernel(%arg0: i32, %arg1: memref<4096x768xf32, #tpu.memory_space<vmem>>, %arg2: memref<8x768xf32, #tpu.memory_space<vmem>>, %arg3: memref<8x4096xf32, #tpu.memory_space<vmem>>) attributes {dimension_semantics = [#tpu.dimension_semantics<arbitrary>], iteration_bounds = array<i64: 8>, scalar_prefetch = 0 : i64, scratch_operands = 0 : i64, tpu.core_type = #tpu.core_type<tc>, window_params = [{transform_indices = @transform_0, window_bounds = array<i64: 4096, 768>}, {pipeline_mode = #tpu.pipeline_mode<synchronous>, transform_indices = @transform_1, window_bounds = array<i64: 8, 768>}, {transform_indices = @transform_2, window_bounds = array<i64: 8, 4096>}]} {
    %get3A = arith.constant 0 : index
    %get3A_0 = arith.constant 0 : index
    %get3A_1 = vector.load %arg2[%get3A, %get3A_0] : memref<8x768xf32, #tpu.memory_space<vmem>>, vector<8x768xf32>
    %get3A_2 = arith.constant 0 : index
    %get3A_3 = arith.constant 0 : index
    %get3A_4 = vector.load %arg1[%get3A_2, %get3A_3] : memref<4096x768xf32, #tpu.memory_space<vmem>>, vector<4096x768xf32>
    %dot_general3A = arith.constant dense<0.000000e+00> : vector<8x4096xf32>
    %dot_general3A_5 = tpu.matmul %get3A_1, %get3A_4, %dot_general3A {dimension_numbers = #tpu.dot_dimension_numbers<[1], [1], [0], [0], [0, 0, 1, 0], [], []>, transpose_lhs_hint = false} : vector<8x768xf32>, vector<4096x768xf32>, vector<8x4096xf32> -> vector<8x4096xf32>
    %swap3A = arith.constant 0 : index
    %swap3A_6 = arith.constant 0 : index
    %swap3A_7 = vector.load %arg3[%swap3A, %swap3A_6] : memref<8x4096xf32, #tpu.memory_space<vmem>>, vector<8x4096xf32>
    tpu.vector_store %arg3[%swap3A, %swap3A_6], %dot_general3A_5 {strides = array<i32>} : memref<8x4096xf32, #tpu.memory_space<vmem>>, vector<8x4096xf32>,
    return
  }
  func.func @transform_0(%arg0: i32) -> (i32, i32) {
    %c0_i32 = arith.constant 0 : i32
    %c0_i32_0 = arith.constant 0 : i32
    return %arg0, %c0_i32 : i32, i32
  }
  func.func @transform_1(%arg0: i32) -> (i32, i32) {
    %c0_i32 = arith.constant 0 : i32
    %c0_i32_0 = arith.constant 0 : i32
    %c0_i32_1 = arith.constant 0 : i32
    return %c0_i32, %c0_i32_0 : i32, i32
  }
  func.func @transform_2(%arg0: i32) -> (i32, i32) {
    %c0_i32 = arith.constant 0 : i32
    %c0_i32_0 = arith.constant 0 : i32
    return %c0_i32, %arg0 : i32, i32
  }
}

</mosaic_0001>

<sc_bundles>
// kernel: kernel.4.cloned.1.call-start
scs
__scs_entry_jumppad:
0x0: {  	(pc) =	sbr.rel $0x88, $3  }
0x1: {  	(tag) =	ssettag $0x0;
	lr =	simm.s32 $0x1  }
0x2: {  	[smem:$0x3F9F] =	sst lr;
	_ =	strace $0xD0000000  }
0x3: {  	_ = 	snop  }
0x4: {  	_ = 	snop  }
0x5: {  	_ = 	snop  }
0x6: {  	_ = 	snop  }
0x7: {  	_ = 	snop  }
__scs_overlays_trampoline_lowered:
0x8: {  	[smem:$0x3FAE] =	sst s0  }
0x9: {  	[smem:$0x3FAF] =	sst s1  }
0xa: {  	[smem:$0x3FB0] =	sst s2  }
0xb: {  	[smem:$0x3FB1] =	sst s3  }
0xc: {  	[smem:$0x3FB2] =	sst s4  }
0xd: {  	[smem:$0x3FB3] =	sst s5  }
0xe: {  	[smem:$0x3FB4] =	sst s6  }
0xf: {  	[smem:$0x3FB5] =	sst s7  }
0x10: {  	[smem:$0x3FB6] =	sst s8  }
0x11: {  	[smem:$0x3FB7] =	sst s9;
	s0 =	simm.s32 @!p0 $0x0  }
0x12: {  	s1 =	sld [smem:$0x3F9D];
	s0 =	simm.s32 @p0 $0x1  }
0x13: {  	[smem:$0x3FB8] =	sst s0;
	s0 =	simm.s32 @!p1 $0x0  }
0x14: {  	s2 =	sld [smem:$0x3F9C];
	s0 =	simm.s32 @p1 $0x1  }
0x15: {  	[smem:$0x3FB9] =	sst s0;
	s0 =	simm.s32 @!p2 $0x0  }
0x16: {  	s3 =	sld [smem:$0x3FDB];
	s0 =	simm.s32 @p2 $0x1  }
0x17: {  	s4 =	simm.s32 $0x1BF5;
	[smem:$0x3FBB] =	sst s0  }
0x18: {  	s0 =	sld [smem:$0x3F9E];
	_ =	swait.ge [sflag:s4], $0x0  }
0x19: {  	s7 =	sld [smem:$0x3F9F]  }
0x1a: {  	s8 =	sadd.s32 $0xFFFFE003, lr  }
0x1b: {  	s9 =	sadd.s32 $0xFFFFFEF7, lr;
	s5 =	simm.s32 $0xFFFFFFFF;
	p2 =	slt.u32 s8, $0xFFFFF086  }
0x1c: {  	p1 =	slt.u32 s9, $0xF7A;
	s5 =	simm.s32 @!p2 $0x0  }
0x1d: {  	s5 =	simm.s32 @p1 $0x1;
	p0 =	seq.s32 s7, s2  }
0x1e: {  	s7 =	smul.u32 @!p0 $0xF7A, s2;
	p2 =	seq.s32 @!p0 s5, $0x0  }
0x1f: {  	s9 =	smul.u32 $0xF7A, s1;
	s8 =	simm.s32 @!p0 $0x1BF5;
	p2 =	por !p2, p0  }
0x20: {  	[sflag:s8] =	ssyncset.s32 @!p0 $0xFFFFF086;
	s6 =	sadd.s32 @!p0 s3, s7;
	s7 =	simm.s32 @!p0 $0x108  }
0x21: {  	s3 =	sadd.s32 s3, s9;
	s6 =	sadd.s32 @!p0 $0x88, s6;
	s7 =	simm.s32 @p2 $0x1082  }
0x22: {  	[simem:s7], [sflag:s8] =	dma.local @!p0 [hbm:s6], $0xF7A  }
0x23: {  	s9 =	sor.u32 $0xD0000000, s2;
	s6 =	simm.s32 $0x108;
	_ =	swait.ge @!p0 [sflag:s8], $0x0  }
0x24: {  	s3 =	sadd.s32 $0x88, s3;
	s6 =	simm.s32 @!p1 $0x1082;
	[sflag:s4] =	ssyncset.s32 $0xFFFFF086  }
0x25: {  	[simem:s6], [sflag:s4] =	dma.local [hbm:s3], $0xF7A  }
0x26: {  	[smem:$0x3F9F] =	sst s1;
	(tag) =	ssettag s2;
	_ =	strace s9  }
0x27: {  	s1 =	sld [smem:$0x3FAF]  }
0x28: {  	s2 =	sld [smem:$0x3FB0]  }
0x29: {  	s4 =	sld [smem:$0x3FB2]  }
0x2a: {  	p0 =	seq.s32 s5, $0x0;
	s5 =	sld [smem:$0x3FB3]  }
0x2b: {  	s6 =	sld [smem:$0x3FB4]  }
0x2c: {  	s7 =	sld [smem:$0x3FB5]  }
0x2d: {  	s3 =	simm.s32 $0x108;
	s8 =	sld [smem:$0x3FB6]  }
0x2e: {  	s3 =	simm.s32 @!p0 $0x1082;
	s9 =	sld [smem:$0x3FB7]  }
0x2f: {  	lr =	sadd.s32 s0, s3;
	s0 =	sld [smem:$0x3FAE]  }
0x30: {  	s3 =	sld [smem:$0x3FB1]  }
0x31: {  	[smem:$0x3FBA] =	sst s10  }
0x32: {  	s10 =	sld [smem:$0x3FB8];
	_ =	sdelay $0x3  }
0x33: {  	p0 =	seq.s32 s10, $0x1;
	s10 =	sld [smem:$0x3FBA];
	_ =	sdelay $0x3  }
0x34: {  	[smem:$0x3FBA] =	sst s10  }
0x35: {  	s10 =	sld [smem:$0x3FB9];
	_ =	sdelay $0x3  }
0x36: {  	p1 =	seq.s32 s10, $0x1;
	s10 =	sld [smem:$0x3FBA];
	_ =	sdelay $0x3  }
0x37: {  	[smem:$0x3FBA] =	sst s10  }
0x38: {  	s10 =	sld [smem:$0x3FBB]  }
0x39: {  	_ = 	snop;
	(pc) =	sbr.ind lr, $3  }
0x3a: {  	_ = 	snop  }
0x3b: {  	_ = 	snop  }
0x3c: {  	p2 =	seq.s32 s10, $0x1;
	s10 =	sld [smem:$0x3FBA]  }
0x3d: {  	_ =	shalt  }
0x3e: {  	_ =	shalt  }
0x3f: {  	_ =	shalt  }
0x40: {  	_ =	shalt  }
0x41: {  	_ =	shalt  }
0x42: {  	_ =	shalt  }
0x43: {  	_ =	shalt  }
0x44: {  	_ =	shalt  }
0x45: {  	_ =	shalt  }
0x46: {  	_ =	shalt  }
0x47: {  	_ =	shalt  }
0x48: {  	_ =	shalt  }
0x49: {  	_ =	shalt  }
0x4a: {  	_ =	shalt  }
0x4b: {  	_ =	shalt  }
0x4c: {  	_ =	shalt  }
0x4d: {  	_ =	shalt  }
0x4e: {  	_ =	shalt  }
0x4f: {  	_ =	shalt  }
0x50: {  	_ =	shalt  }
0x51: {  	_ =	shalt  }
0x52: {  	_ =	shalt  }
0x53: {  	_ =	shalt  }
0x54: {  	_ =	shalt  }
0x55: {  	_ =	shalt  }
0x56: {  	_ =	shalt  }
0x57: {  	_ =	shalt  }
0x58: {  	_ =	shalt  }
0x59: {  	_ =	shalt  }
0x5a: {  	_ =	shalt  }
0x5b: {  	_ =	shalt  }
0x5c: {  	_ =	shalt  }
0x5d: {  	_ =	shalt  }
0x5e: {  	_ =	shalt  }
0x5f: {  	_ =	shalt  }
0x60: {  	_ =	shalt  }
0x61: {  	_ =	shalt  }
0x62: {  	_ =	shalt  }
0x63: {  	_ =	shalt  }
0x64: {  	_ =	shalt  }
0x65: {  	_ =	shalt  }
0x66: {  	_ =	shalt  }
0x67: {  	_ =	shalt  }
0x68: {  	_ =	shalt  }
0x69: {  	_ =	shalt  }
0x6a: {  	_ =	shalt  }
0x6b: {  	_ =	shalt  }
0x6c: {  	_ =	shalt  }
0x6d: {  	_ =	shalt  }
0x6e: {  	_ =	shalt  }
0x6f: {  	_ =	shalt  }
0x70: {  	_ =	shalt  }
0x71: {  	_ =	shalt  }
0x72: {  	_ =	shalt  }
0x73: {  	_ =	shalt  }
0x74: {  	_ =	shalt  }
0x75: {  	_ =	shalt  }
0x76: {  	_ =	shalt  }
0x77: {  	_ =	shalt  }
0x78: {  	_ =	shalt  }
0x79: {  	_ =	shalt  }
0x7a: {  	_ =	shalt  }
0x7b: {  	_ =	shalt  }
0x7c: {  	_ =	shalt  }
0x7d: {  	_ =	shalt  }
0x7e: {  	_ =	shalt  }
0x7f: {  	_ =	shalt  }
0x80: {  	_ =	shalt  }
0x81: {  	_ =	shalt  }
0x82: {  	_ =	shalt  }
0x83: {  	_ =	shalt  }
0x84: {  	_ =	shalt  }
0x85: {  	_ =	shalt  }
0x86: {  	_ =	shalt  }
0x87: {  	_ =	shalt  }
.Lfunc_end0:
.L_simem_size_0:
called_computation_lowered:
.L_overlay_start_0:
0x88: {  	s2 =	sld [smem:$0x3FD9]  }
0x89: {  	s3 =	sld [smem:$0x3FFE];
	_ =	sdelay $0x1  }
0x8a: {  	s1 =	srdreg.scid  }
0x8b: {  	s0 =	sand.u32 $0x1, s1  }
0x8c: {  	s14 =	sshll.u32 s0, $0xA;
	s2 =	sadd.s32 s3, s2  }
0x8d: {  	s2 =	sadd.s32 s2, s14  }
0x8e: {  	[smem:$0x3FC6] =	sst s2  }
0x8f: {  	_ = 	snop  }
0x90: {  	s2 =	sld [smem:$0x3FD0];
	_ =	sdelay $0x2  }
0x91: {  	s15 =	simm.s32 $0xA;
	s4 =	simm.s32 $0x10  }
0x92: {  	[smem:s4], [sflag:s15] =	dma.local [hbm:s2], $0x1  }
0x93: {  	_ =	swait.eq [sflag:s15], $0x1  }
0x94: {  	s16 =	sld [smem:$0x10];
	[sflag:s15] =	ssyncset.done $0x0  }
0x95: {  	s17 =	sld [smem:$0x11];
	[sflag:s15] =	ssyncadd.s32 $0xFFFFFFFF  }
0x96: {  	s18 =	sld [smem:$0x12];
	(tm) =	ssettm $0x1  }
0x97: {  	s5 =	sld [smem:$0x3FFB];
	_ =	sdelay $0x3  }
0x98: {  	_ =	strace s5  }
0x99: {  	s5 =	sld [smem:$0x3FFC];
	_ =	sdelay $0x3  }
0x9a: {  	_ =	strace s5  }
0x9b: {  	s5 =	sld [smem:$0x3FFD];
	_ =	sdelay $0x3  }
0x9c: {  	_ =	strace s5  }
0x9d: {  	_ =	strace $0x8FFFFFFF  }
0x9e: {  	s19 =	sld [smem:$0x3FDB];
	_ =	sdelay $0x1  }
0x9f: {  	s6 =	simm.s32 $_scs_section_size  }
0xa0: {  	s7 =	simm.s32 $_size__tile_overlayer_lowered;
	s8 =	simm.s32 $_tile_overlayer_lowered  }
0xa1: {  	s22 =	simm.s32 $0x1BFF;
	s21 =	sshll.u32 s8, $0x1;
	s5 =	sadd.s32 s6, s19  }
0xa2: {  	s9 =	simm.s32 $0x0;
	s20 =	sshll.u32 s7, $0x1;
	s7 =	sadd.s32 s21, s5  }
0xa3: {  	[timem:s9], [sflag:s22] =	dma.local [hbm:s7], s20  }
0xa4: {  	_ =	swait.ge [sflag:s22], s20  }
0xa5: {  	s6 =	ssub.s32 $0x0, s20;
	[sflag:s22] =	ssyncset.done $0x0  }
0xa6: {  	[sflag:s22] =	ssyncadd.s32 s6;
	_ =	sdelay $0x1  }
0xa7: {  	s23 =	simm.s32 $0x1B8B  }
0xa8: {  	_ =	swait.ge [sflag:s23], $0x1  }
0xa9: {  	[sflag:s23] =	ssyncset.done $0x0  }
0xaa: {  	s25 =	simm.s32 $0x1B8E;
	s24 =	sld [smem:$0x3FFE];
	[sflag:s23] =	ssyncadd.s32 $0xFFFFFFFF  }
0xab: {  	s26 =	simm.s32 $execute0_lowered;
	[smem:$0x3FD2] =	sst s25  }
0xac: {  	s7 =	sshll.u32 s26, $0x1;
	_ =	strace $0x80000046;
	[dreg:$0x1] =	wrdreg $0xFFFFFFFF  }
0xad: {  	s28 =	simm.s32 $_size_execute0_lowered;
	s5 =	sadd.s32 s5, s7;
	[dreg:$0x0] =	wrdreg $0x0  }
0xae: {  	s7 =	sshll.u32 s28, $0x1;
	[dreg:$0x2] =	wrdreg s5  }
0xaf: {  	[dreg:$0x3] =	wrdreg s7  }
0xb0: {  	[dreg:$0x4] =	wrdreg $0xC0  }
0xb1: {  	_ =	task [dreg:s9], $0x5FFFF  }
0xb2: {  	[dreg:$0x1] =	wrdreg $0xFFFFFFFF  }
0xb3: {  	[dreg:$0x0] =	wrdreg $0x60  }
0xb4: {  	[dreg:$0x2] =	wrdreg s24  }
0xb5: {  	[dreg:$0x3] =	wrdreg s18  }
0xb6: {  	[dreg:$0x4] =	wrdreg s16  }
0xb7: {  	[dreg:$0x5] =	wrdreg s17  }
0xb8: {  	[dreg:$0x6] =	wrdreg $0x9  }
0xb9: {  	_ =	task.clear_ibuf [dreg:s9], $0x7FFFF;
	_ =	strace $0x90000046  }
0xba: {  	s29 =	simm.s32 $0x9;
	_ =	strace $0x80000048  }
0xbb: {  	_ =	swait.ge [sflag:s29], $0x1  }
0xbc: {  	[sflag:s29] =	ssyncadd.s32 $0xFFFFFFFF  }
0xbd: {  	_ =	strace $0x90000048  }
0xbe: {  	_ =	sfence  }
0xbf: {  	s30 =	sld [smem:$0x0];
	_ =	sdelay $0x2  }
0xc0: {  	s31 =	sshll.u32 s1, $0xD;
	s1 =	sshrl.u32 s1, $0x2  }
0xc1: {  	s3 =	sand.u32 $0x4000, s31;
	s1 =	sadd.s32 s1, s30  }
0xc2: {  	s0 =	sor.u32 s3, s0;
	s1 =	sshll.u32 s1, $0x11  }
0xc3: {  	s0 =	sor.u32 s1, s0  }
0xc4: {  	s0 =	sadd.s32 $0x8F2B, s0  }
0xc5: {  	[sflag:s0] =	ssyncadd.remote.s32 $0x1  }
0xc6: {  	_ =	sfence.sel $0xFFFF  }
0xc7: {  	[dreg:$0x0] =	wrdreg $0xFFFFFFFF;
	(pc) =	sbr.abs _section_cstart, $3  }
0xc8: {  	[dreg:$0x1] =	wrdreg $0xFFFFFFFF  }
0xc9: {  	_ =	task.clear_ibuf [dreg:s9], $0x2FFFF;
	_ =	strace $0x9FFFFFFF  }
0xca: {  	(tm) =	ssettm $0x7FFFFFFF  }
0xcb: {  	_ =	shalt  }
tec
execute0_lowered:
.L_overlay_start_1:
0x0: {  	(tag) =	ssettag $0x1  }
0x1: {  	s3 =	rddreg [dreg:$0x0]  }
0x2: {  	s4 =	rddreg [dreg:$0x1]  }
0x3: {  	s5 =	rddreg [dreg:$0x2]  }
0x4: {  	s6 =	rddreg [dreg:$0x3]  }
0x5: {  	s0 =	rddreg [dreg:$0x4]  }
0x6: {  	s7 =	srdreg.scid;
	s1 =	stileid.u32  }
0x7: {  	s2 =	simm.s32 $0x0;
	s11 =	simm.s32 $0x5000;
	s12 =	simm.s32 $0x5080  }
0x8: {  	s13 =	simm.s32 $0x2000;
	s14 =	simm.s32 $0x4000;
	s15 =	simm.s32 $0x4800  }
0x9: {  	s16 =	simm.s32 $0x0;
	s7 =	sand.u32 $0x1, s7;
	s8 =	sshll.u32 s1, $0x1  }
0xa: {  	[smem:$0x7FF] =	sst s2;
	s8 =	sor.u32 s7, s8;
	s7 =	ssub.s32 $0x2, s7  }
0xb: {  	_ =	strace $0x80000047;
	s9 =	sshll.u32 s8, $0x4;
	s10 =	sshrl.u32 s7, $0x1  }
0xc: {  	s30 =	sshll.u32 s8, $0xA;
	s31 =	sshll.u32 s8, $0x8;
	s9 =	sadd.s32 s9, s3  }
0xd: {  	s10 =	ssub.s32 s7, s10;
	s3 =	sadd.s32 s3, s30;
	s4 =	sadd.s32 s4, s30  }
0xe: {  	s5 =	sadd.s32 s5, s31;
	s6 =	sadd.s32 s6, s31;
	s7 =	sadd.s32 $0x8000, s9  }
0xf: {  	v0 =	vimm.f32 $0.0e+00;
	v1 =	vimm.s32 $0x0;
	v2 =	vimm.f32 $1.000000000e+00;
	s8 =	sadd.s32 $0x8200, s9;
	s9 =	smax.u32 s10, $0x1;
	s10 =	simm.s32 $0x1  }
.LBB2_1:
0x10: {  	[tilespmem:s2], [sflag:$0x1] =	stream.linear.gather [hbm4b:s3+s2], $0x2000, $0x38;
	[tilespmem:$0x5100] =	vst v63  }
0x11: {  	_ =	swait.ge [sflag:s10], $0x2000  }
0x12: {  	[sflag:s10] =	ssyncset.done $0x0  }
0x13: {  	[sflag:s10] =	ssyncadd.s32 $0xFFFFE000  }
0x14: {  	s17 =	sand.u32 $0x70, s2;
	s19 =	simm.s32 $0x0;
	[tilespmem:$0x5000] =	vst v0  }
0x15: {  	s18 =	sor.u32 s17, s19;
	[tilespmem:$0x5080] =	vst v0  }
0x16: {  	v3 =	vld [tilespmem:s18+$0x0]  }
0x17: {  	v4 =	vld [tilespmem:s18+$0x80]  }
0x18: {  	v5 =	vld [tilespmem:s18+$0x100]  }
0x19: {  	v6 =	vld [tilespmem:s18+$0x180]  }
0x1a: {  	v7 =	vld [tilespmem:s18+$0x200]  }
0x1b: {  	s19 =	sor.u32 s19, s2;
	v8 =	vld [tilespmem:s18+$0x280]  }
0x1c: {  	s19 =	sor.u32 $0x380, s19;
	v9 =	vld [tilespmem:s18+$0x300];
	v10 =	vmax.f32 v3, v4  }
0x1d: {  	v11 =	vld [tilespmem:s19+$0x0];
	v10 =	vmax.f32 v10, v5  }
0x1e: {  	v10 =	vmax.f32 v10, v6  }
0x1f: {  	v10 =	vmax.f32 v10, v7  }
0x20: {  	v10 =	vmax.f32 v10, v8  }
0x21: {  	v10 =	vmax.f32 v10, v9  }
0x22: {  	v10 =	vmax.f32 v10, v11  }
0x23: {  	v3 =	vsub.f32 v3, v10  }
0x24: {  	v4 =	vsub.f32 v4, v10  }
0x25: {  	v3 =	vmul.f32 $1.442695020e+00, v3  }
0x26: {  	v5 =	vsub.f32 v5, v10;
	v4 =	vmul.f32 $1.442695020e+00, v4  }
0x27: {  	(erf) = vpow2.f32 v3  }
0x28: {  	v5 =	vmul.f32 $1.442695020e+00, v5;
	v3 =	vsub.f32 v6, v10;
	(erf) = vpow2.f32 v4;
	_ =	sdelay $0x1  }
0x29: {  	v4 =	vsub.f32 v7, v10;
	v3 =	vmul.f32 $1.442695020e+00, v3;
	(erf) = vpow2.f32 v5  }
0x2a: {  	v5 =	vsub.f32 v8, v10  }
0x2b: {  	v4 =	vmul.f32 $1.442695020e+00, v4;
	(erf) = vpow2.f32 v3  }
0x2c: {  	v3 =	vsub.f32 v9, v10;
	v5 =	vmul.f32 $1.442695020e+00, v5  }
0x2d: {  	(erf) = vpow2.f32 v4  }
0x2e: {  	v4 =	vsub.f32 v11, v10;
	v3 =	vmul.f32 $1.442695020e+00, v3  }
0x2f: {  	v6 =	vpop (erf);
	(erf) = vpow2.f32 v5  }
0x30: {  	v4 =	vmul.f32 $1.442695020e+00, v4;
	v5 =	vpop (erf)  }
0x31: {  	(erf) = vpow2.f32 v3;
	v7 =	vadd.f32 v5, v6  }
0x32: {  	v3 =	vpop (erf)  }
0x33: {  	(erf) = vpow2.f32 v4;
	v7 =	vadd.f32 v7, v3  }
0x34: {  	v4 =	vpop (erf)  }
0x35: {  	v7 =	vadd.f32 v7, v4  }
0x36: {  	v8 =	vpop (erf)  }
0x37: {  	v7 =	vadd.f32 v7, v8  }
0x38: {  	v58 =	vpop (erf)  }
0x39: {  	v7 =	vadd.f32 v7, v58  }
0x3a: {  	v59 =	vpop (erf)  }
0x3b: {  	v7 =	vadd.f32 v7, v59  }
0x3c: {  	v60 =	vpop (erf)  }
0x3d: {  	v7 =	vadd.f32 v7, v60;
	_ =	sdelay $0x1  }
0x3e: {  	(erf) = vrcp.f32 v7;
	_ =	sdelay $0x8  }
0x3f: {  	v7 =	vpop (erf)  }
0x40: {  	v6 =	vmul.f32 v7, v6;
	v5 =	vmul.f32 v7, v5;
	_ =	sdelay $0x1  }
0x41: {  	v12 =	vmul.f32 v7, v3;
	vm0 =	vgt.f32 v5, v6  }
0x42: {  	v3 =	vsel vm0, v5, v6  }
0x43: {  	v4 =	vmul.f32 v7, v4;
	vm1 =	vgt.f32 v12, v3  }
0x44: {  	v3 =	vsel vm1, v12, v3  }
0x45: {  	v8 =	vmul.f32 v7, v8;
	vm2 =	vgt.f32 v4, v3  }
0x46: {  	v3 =	vsel vm2, v4, v3  }
0x47: {  	v9 =	vmul.f32 v7, v58;
	vm3 =	vgt.f32 v8, v3  }
0x48: {  	v3 =	vsel vm3, v8, v3  }
0x49: {  	v10 =	vmul.f32 v7, v59;
	v13 =	vsel vm0, $0x1, v1;
	vm14 =	vgt.f32 v9, v3  }
0x4a: {  	v13 =	vsel vm1, $0x2, v13;
	v3 =	vsel vm14, v9, v3  }
0x4b: {  	v7 =	vmul.f32 v7, v60;
	v13 =	vsel vm2, $0x3, v13;
	vm15 =	vgt.f32 v10, v3  }
0x4c: {  	v61 =	vsel vm3, $0x4, v13;
	v62 =	vsel vm15, v10, v3  }
0x4d: {  	v3 =	vsel vm14, $0x5, v61;
	vm4 =	vgt.f32 v7, v62  }
0x4e: {  	v3 =	vsel vm15, $0x6, v3;
	vm0 =	vmneg vm4  }
0x4f: {  	v3 =	vnsel vm0, $0x7, v3  }
0x50: {  	vm5 =	vgt.f32 v6, $-1.000000000e+00;
	vm6 =	vne.s32 v3, $0x0  }
0x51: {  	vm1 =	vmand vm5, vm6  }
0x52: {  	v63 =	vnsel vm1, $0xBF800000, v6  }
0x53: {  	vm7 =	vne.s32 v3, $0x1;
	vm8 =	vgt.f32 v5, v63  }
0x54: {  	vm1 =	vmand vm7, vm8  }
0x55: {  	v11 =	vsel vm1, v5, v63  }
0x56: {  	vm9 =	vne.s32 v3, $0x2;
	vm10 =	vgt.f32 v12, v11  }
0x57: {  	vm2 =	vmand vm9, vm10  }
0x58: {  	v11 =	vsel vm2, v12, v11  }
0x59: {  	vm11 =	vne.s32 v3, $0x3;
	vm4 =	vgt.f32 v4, v11  }
0x5a: {  	vm3 =	vmand vm11, vm4  }
0x5b: {  	v11 =	vsel vm3, v4, v11  }
0x5c: {  	vm12 =	vne.s32 v3, $0x4;
	vm5 =	vgt.f32 v8, v11  }
0x5d: {  	vm4 =	vmand vm12, vm5  }
0x5e: {  	v11 =	vsel vm4, v8, v11  }
0x5f: {  	vm13 =	vne.s32 v3, $0x5;
	vm6 =	vgt.f32 v9, v11  }
0x60: {  	vm5 =	vmand vm13, vm6  }
0x61: {  	v11 =	vsel vm5, v9, v11  }
0x62: {  	vm14 =	vne.s32 v3, $0x6;
	vm7 =	vgt.f32 v10, v11  }
0x63: {  	vm6 =	vmand vm14, vm7  }
0x64: {  	v11 =	vsel vm6, v10, v11  }
0x65: {  	vm15 =	vgt.f32 v7, v11  }
0x66: {  	vm7 =	vmand vm0, vm15  }
0x67: {  	v13 =	vsel vm0, v62, v7;
	v11 =	vsel vm7, v7, v11  }
0x68: {  	v14 =	vadd.f32 v11, v13;
	_ =	sdelay $0x1  }
0x69: {  	v14 =	vadd.f32 $9.999999930e-09, v14;
	_ =	sdelay $0x1  }
0x6a: {  	(erf) = vrcp.f32 v14;
	_ =	sdelay $0x1  }
0x6b: {  	[tilespmem:s18+$0x2100] =	vst v12  }
0x6c: {  	[tilespmem:s18+$0x2200] =	vst v8  }
0x6d: {  	[tilespmem:s18+$0x2080] =	vst v5;
	v5 =	vsel vm1, $0x1, v1  }
0x6e: {  	[tilespmem:s18+$0x2000] =	vst v6;
	v5 =	vsel vm2, $0x2, v5  }
0x6f: {  	[tilespmem:s18+$0x2180] =	vst v4;
	v4 =	vsel vm3, $0x3, v5  }
0x70: {  	[tilespmem:s18+$0x2300] =	vst v10;
	v4 =	vsel vm4, $0x4, v4  }
0x71: {  	s20 =	simm.s32 $0x0;
	[tilespmem:s18+$0x2280] =	vst v9;
	v4 =	vsel vm5, $0x5, v4  }
0x72: {  	s31 =	sor.u32 s17, s20;
	[tilespmem:s19+$0x2000] =	vst v7;
	v4 =	vsel vm6, $0x6, v4;
	v5 =	vpop (erf)  }
0x73: {  	[tilespmem:s31+$0x4800] =	vst v3;
	v4 =	vsel vm7, $0x7, v4;
	v6 =	vmul.f32 v5, v13  }
0x74: {  	[tilespmem:s31+$0x4880] =	vst v4;
	v5 =	vmul.f32 v5, v11  }
0x75: {  	[tilespmem:s31+$0x4000] =	vst v6  }
0x76: {  	s17 =	simm.s32 $0x1;
	s18 =	simm.s32 $0x0;
	[tilespmem:s31+$0x4080] =	vst v5  }
.LBB2_2:
0x77: {  	p0 =	sne.s32 s17, $0x3F  }
0x78: {  	[tilespmem:v3+s11+$0x0] =	vst.idx.add.f32.msk $0xffff, v6;
	s18 =	sadd.s32 $0x10, s18;
	s19 =	smov.u32 s17;
	s17 =	sadd.s32 $0x1, s17  }
0x79: {  	s20 =	sshrl.u32 s19, $0x3;
	[tilespmem:v4+s11+$0x0] =	vst.idx.add.f32.msk $0xffff, v5  }
0x7a: {  	s19 =	sand.u32 $0x70, s18;
	s22 =	sshll.u32 s20, $0xA;
	s20 =	sshll.u32 s20, $0x8;
	[tilespmem:v3+s12+$0x0] =	vst.idx.add.f32.msk $0xffff, v2  }
0x7b: {  	s21 =	sor.u32 s19, s22;
	s22 =	sor.u32 s22, s18;
	[tilespmem:v4+s12+$0x0] =	vst.idx.add.f32.msk $0xffff, v2  }
0x7c: {  	v3 =	vld [tilespmem:s21+$0x0];
	s22 =	sor.u32 $0x380, s22  }
0x7d: {  	v4 =	vld [tilespmem:s21+$0x80]  }
0x7e: {  	v5 =	vld [tilespmem:s21+$0x100]  }
0x7f: {  	v6 =	vld [tilespmem:s21+$0x180]  }
0x80: {  	v7 =	vld [tilespmem:s21+$0x200]  }
0x81: {  	v8 =	vld [tilespmem:s21+$0x280]  }
0x82: {  	v9 =	vld [tilespmem:s21+$0x300];
	v10 =	vmax.f32 v3, v4  }
0x83: {  	v11 =	vld [tilespmem:s22+$0x0];
	v10 =	vmax.f32 v10, v5  }
0x84: {  	v10 =	vmax.f32 v10, v6  }
0x85: {  	v10 =	vmax.f32 v10, v7  }
0x86: {  	v10 =	vmax.f32 v10, v8  }
0x87: {  	v10 =	vmax.f32 v10, v9  }
0x88: {  	v10 =	vmax.f32 v10, v11  }
0x89: {  	v3 =	vsub.f32 v3, v10;
	v4 =	vsub.f32 v4, v10  }
0x8a: {  	v5 =	vsub.f32 v5, v10;
	v6 =	vsub.f32 v6, v10  }
0x8b: {  	v7 =	vsub.f32 v7, v10;
	v3 =	vmul.f32 $1.442695020e+00, v3;
	v4 =	vmul.f32 $1.442695020e+00, v4  }
0x8c: {  	v8 =	vsub.f32 v8, v10;
	v5 =	vmul.f32 $1.442695020e+00, v5;
	v6 =	vmul.f32 $1.442695020e+00, v6  }
0x8d: {  	v9 =	vsub.f32 v9, v10;
	v7 =	vmul.f32 $1.442695020e+00, v7;
	(erf) = vpow2.f32 v3  }
0x8e: {  	v3 =	vmul.f32 $1.442695020e+00, v8;
	v8 =	vsub.f32 v11, v10;
	(erf) = vpow2.f32 v4  }
0x8f: {  	v4 =	vmul.f32 $1.442695020e+00, v9  }
0x90: {  	v8 =	vmul.f32 $1.442695020e+00, v8;
	(erf) = vpow2.f32 v5;
	_ =	sdelay $0x1  }
0x91: {  	(erf) = vpow2.f32 v6;
	_ =	sdelay $0x1  }
0x92: {  	(erf) = vpow2.f32 v7;
	_ =	sdelay $0x1  }
0x93: {  	v5 =	vpop (erf);
	(erf) = vpow2.f32 v3  }
0x94: {  	v3 =	vpop (erf)  }
0x95: {  	v6 =	vadd.f32 v3, v5;
	(erf) = vpow2.f32 v4  }
0x96: {  	v4 =	vpop (erf)  }
0x97: {  	v6 =	vadd.f32 v6, v4;
	(erf) = vpow2.f32 v8  }
0x98: {  	v7 =	vpop (erf)  }
0x99: {  	v6 =	vadd.f32 v6, v7  }
0x9a: {  	v8 =	vpop (erf)  }
0x9b: {  	v6 =	vadd.f32 v6, v8  }
0x9c: {  	v9 =	vpop (erf)  }
0x9d: {  	v6 =	vadd.f32 v6, v9  }
0x9e: {  	v10 =	vpop (erf)  }
0x9f: {  	v6 =	vadd.f32 v6, v10  }
0xa0: {  	v11 =	vpop (erf)  }
0xa1: {  	v6 =	vadd.f32 v6, v11;
	_ =	sdelay $0x1  }
0xa2: {  	(erf) = vrcp.f32 v6;
	_ =	sdelay $0x8  }
0xa3: {  	v6 =	vpop (erf)  }
0xa4: {  	v5 =	vmul.f32 v6, v5;
	v12 =	vmul.f32 v6, v3;
	_ =	sdelay $0x1  }
0xa5: {  	v4 =	vmul.f32 v6, v4;
	vm0 =	vgt.f32 v12, v5  }
0xa6: {  	v3 =	vsel vm0, v12, v5  }
0xa7: {  	v7 =	vmul.f32 v6, v7;
	vm1 =	vgt.f32 v4, v3  }
0xa8: {  	v3 =	vsel vm1, v4, v3  }
0xa9: {  	v8 =	vmul.f32 v6, v8;
	vm2 =	vgt.f32 v7, v3  }
0xaa: {  	v3 =	vsel vm2, v7, v3;
	[tilespmem:s21+$0x2100] =	vst v4  }
0xab: {  	v9 =	vmul.f32 v6, v9;
	v13 =	vsel vm0, $0x1, v1;
	vm0 =	vgt.f32 v8, v3;
	[tilespmem:s21+$0x2200] =	vst v8  }
0xac: {  	v13 =	vsel vm1, $0x2, v13;
	v3 =	vsel vm0, v8, v3;
	[tilespmem:s21+$0x2080] =	vst v12  }
0xad: {  	v10 =	vmul.f32 v6, v10;
	v13 =	vsel vm2, $0x3, v13;
	vm1 =	vgt.f32 v9, v3;
	[tilespmem:s21+$0x2000] =	vst v5  }
0xae: {  	v13 =	vsel vm0, $0x4, v13;
	v3 =	vsel vm1, v9, v3;
	[tilespmem:s21+$0x2180] =	vst v7  }
0xaf: {  	v6 =	vmul.f32 v6, v11;
	v11 =	vsel vm1, $0x5, v13;
	vm0 =	vgt.f32 v10, v3;
	[tilespmem:s21+$0x2300] =	vst v10  }
0xb0: {  	v3 =	vsel vm0, v10, v3;
	v11 =	vsel vm0, $0x6, v11;
	[tilespmem:s21+$0x2280] =	vst v9  }
0xb1: {  	vm0 =	vgt.f32 v6, v3;
	[tilespmem:s22+$0x2000] =	vst v6  }
0xb2: {  	vm1 =	vgt.f32 v5, $-1.000000000e+00;
	vm0 =	vmneg vm0  }
0xb3: {  	s19 =	sor.u32 s19, s20;
	v13 =	vsel vm0, v3, v6;
	v3 =	vnsel vm0, $0x7, v11  }
0xb4: {  	vm2 =	vne.s32 v3, $0x0;
	[tilespmem:s19+$0x4800] =	vst v3  }
0xb5: {  	vm1 =	vmand vm1, vm2;
	vm2 =	vne.s32 v3, $0x1  }
0xb6: {  	v5 =	vnsel vm1, $0xBF800000, v5  }
0xb7: {  	vm1 =	vgt.f32 v12, v5  }
0xb8: {  	vm1 =	vmand vm2, vm1;
	vm2 =	vne.s32 v3, $0x2  }
0xb9: {  	v5 =	vsel vm1, v12, v5  }
0xba: {  	vm3 =	vgt.f32 v4, v5  }
0xbb: {  	vm2 =	vmand vm2, vm3;
	vm3 =	vne.s32 v3, $0x3  }
0xbc: {  	v4 =	vsel vm2, v4, v5  }
0xbd: {  	vm4 =	vgt.f32 v7, v4  }
0xbe: {  	vm3 =	vmand vm3, vm4;
	vm4 =	vne.s32 v3, $0x4  }
0xbf: {  	v4 =	vsel vm3, v7, v4  }
0xc0: {  	vm5 =	vgt.f32 v8, v4  }
0xc1: {  	vm4 =	vmand vm4, vm5;
	vm5 =	vne.s32 v3, $0x5  }
0xc2: {  	v4 =	vsel vm4, v8, v4  }
0xc3: {  	vm6 =	vgt.f32 v9, v4  }
0xc4: {  	vm5 =	vmand vm5, vm6;
	vm6 =	vne.s32 v3, $0x6  }
0xc5: {  	v4 =	vsel vm5, v9, v4  }
0xc6: {  	vm7 =	vgt.f32 v10, v4  }
0xc7: {  	vm6 =	vmand vm6, vm7  }
0xc8: {  	v4 =	vsel vm6, v10, v4  }
0xc9: {  	vm7 =	vgt.f32 v6, v4  }
0xca: {  	vm0 =	vmand vm0, vm7  }
0xcb: {  	v5 =	vsel vm0, v6, v4  }
0xcc: {  	v4 =	vadd.f32 v5, v13;
	_ =	sdelay $0x1  }
0xcd: {  	v4 =	vadd.f32 $9.999999930e-09, v4;
	_ =	sdelay $0x1  }
0xce: {  	(erf) = vrcp.f32 v4  }
0xcf: {  	v4 =	vsel vm1, $0x1, v1  }
0xd0: {  	v4 =	vsel vm2, $0x2, v4  }
0xd1: {  	v4 =	vsel vm3, $0x3, v4  }
0xd2: {  	v4 =	vsel vm4, $0x4, v4  }
0xd3: {  	v4 =	vsel vm5, $0x5, v4  }
0xd4: {  	v4 =	vsel vm6, $0x6, v4  }
0xd5: {  	v4 =	vsel vm0, $0x7, v4  }
0xd6: {  	[tilespmem:s19+$0x4880] =	vst v4  }
.Ltmp0:
0xd7: {  	v7 =	vpop (erf);
	(pc) =	sbr.rel @p0 .LBB2_2-.Ltmp0, $3  }
0xd8: {  	v6 =	vmul.f32 v7, v13;
	v5 =	vmul.f32 v7, v5;
	_ =	sdelay $0x1  }
0xd9: {  	[tilespmem:s19+$0x4000] =	vst v6  }
0xda: {  	[tilespmem:s19+$0x4080] =	vst v5  }
0xdb: {  	_ =	sdelay $0x3  }
0xdc: {  	[tilespmem:v3+s11+$0x0] =	vst.idx.add.f32.msk $0xffff, v6  }
0xdd: {  	[tilespmem:v4+s11+$0x0] =	vst.idx.add.f32.msk $0xffff, v5  }
0xde: {  	[tilespmem:v3+s12+$0x0] =	vst.idx.add.f32.msk $0xffff, v2  }
0xdf: {  	[tilespmem:v4+s12+$0x0] =	vst.idx.add.f32.msk $0xffff, v2  }
0xe0: {  	[hbm4b:s4+s2] =	stream.linear.scatter [tilespmem:s13], [sflag:$0x1], $0x2000, $0x38;
	[tilespmem:$0x5100] =	vst v63  }
0xe1: {  	_ =	swait.ge [sflag:s10], $0x2000  }
0xe2: {  	[sflag:s10] =	ssyncset.done $0x0  }
0xe3: {  	[sflag:s10] =	ssyncadd.s32 $0xFFFFE000  }
0xe4: {  	[hbm4b:s5+s2] =	stream.linear.scatter [tilespmem:s14], [sflag:$0x1], $0x800, $0x38;
	[tilespmem:$0x5100] =	vst v63  }
0xe5: {  	_ =	swait.ge [sflag:s10], $0x800  }
0xe6: {  	[sflag:s10] =	ssyncset.done $0x0  }
0xe7: {  	[sflag:s10] =	ssyncadd.s32 $0xFFFFF800  }
0xe8: {  	[hbm4b:s6+s2] =	stream.linear.scatter [tilespmem:s15], [sflag:$0x1], $0x800, $0x38;
	[tilespmem:$0x5100] =	vst v63  }
0xe9: {  	_ =	swait.ge [sflag:s10], $0x800  }
0xea: {  	[sflag:s10] =	ssyncset.done $0x0  }
0xeb: {  	[sflag:s10] =	ssyncadd.s32 $0xFFFFF800  }
0xec: {  	[hbm4b:s7+s2] =	stream.linear.scatter [tilespmem:s11], [sflag:$0x1], $0x80, $0x38;
	[tilespmem:$0x5100] =	vst v63  }
0xed: {  	s16 =	sadd.s32 $0x1, s16;
	_ =	swait.ge [sflag:s10], $0x80  }
0xee: {  	p0 =	sne.s32 s16, s9;
	[sflag:s10] =	ssyncset.done $0x0  }
.Ltmp1:
0xef: {  	[sflag:s10] =	ssyncadd.s32 $0xFFFFFF80;
	(pc) =	sbr.rel @p0 .LBB2_1-.Ltmp1, $4  }
0xf0: {  	[hbm4b:s8+s2] =	stream.linear.scatter [tilespmem:s12], [sflag:$0x1], $0x80, $0x38;
	[tilespmem:$0x5100] =	vst v63  }
0xf1: {  	_ =	swait.ge [sflag:s10], $0x80  }
0xf2: {  	[sflag:s10] =	ssyncset.done $0x0  }
0xf3: {  	[sflag:s10] =	ssyncadd.s32 $0xFFFFFF80  }
0xf4: {  	_ =	sfence.sel $0x180000  }
0xf5: {  	[bflag:$0x0] =	sbarrier.arrive $0xFFFF  }
0xf6: {  	p0 =	sne.s32 s1, $0x0;
	_ =	strace $0x90000047  }
0xf7: {  	s0 =	sadd.s32 @!p0 $0x100000, s0;
	[bflag:$0x2] =	sbarrier.arrive $0xFFFF  }
0xf8: {  	[sflag:s0] =	ssyncadd.tile.s32 @!p0 $0x1;
	_ =	shalt  }
.Lfunc_end2:
_tile_overlayer_lowered:
.L_overlay_start_2:
0xf9: {  	(tag) =	ssettag $0x2  }
0xfa: {  	s0 =	rddreg [dreg:$0x0];
	s2 =	stileid.u32  }
0xfb: {  	s1 =	rddreg [dreg:$0x1];
	p0 =	sne.s32 s2, $0x0  }
0xfc: {  	s3 =	rddreg [dreg:$0x2];
	[bflag:$0x3] =	sbarrier.arrive $0xFFFF;
	s2 =	simm.s32 @!p0 $0x1C01  }
0xfd: {  	[timem:s3], [sflag:s2] =	dma.local @!p0 [hbm:s0], s1  }
0xfe: {  	s0 =	simm.s32 @!p0 $0x1  }
0xff: {  	_ =	swait.ge @!p0 [sflag:s0], s1  }
0x100: {  	s1 =	ssub.s32 @!p0 $0x0, s1;
	[sflag:s0] =	ssyncset.done @!p0 $0x0  }
0x101: {  	[sflag:s0] =	ssyncadd.s32 @!p0 s1  }
0x102: {  	[bflag:$0x3] =	sbarrier.arrive $0xFFFF  }
0x103: {  	_ =	shalt  }

</sc_bundles>
